<compile_context>
chip_gen: v7x
topology: tpu7x:2x2x1
jax: 0.10.2.dev20260603
libtpu: 0.0.44.dev20260713+nightly
codegen_flags: <defaults>
</compile_context>

<pallas_src>
import functools

import jax
import jax.numpy as jnp
from jax import lax
from jax.experimental import pallas as pl
from jax.experimental.pallas import tpu as pltpu
from jax.experimental.pallas import tpu_sc as plsc

_LANES = 16
_NUM_WORKERS = 32


@functools.cache
def _make_adj_builder(n_nodes: int, e_pad: int):
    rows_per_w = n_nodes // _NUM_WORKERS
    words_per_w = rows_per_w * n_nodes
    n_groups = e_pad // _LANES
    mesh = plsc.VectorSubcoreMesh(core_axis_name="c", subcore_axis_name="s")

    @functools.partial(
        pl.kernel,
        out_type=jax.ShapeDtypeStruct((n_nodes * n_nodes,), jnp.float32),
        mesh=mesh,
        compiler_params=pltpu.CompilerParams(needs_layout_passes=False),
        scratch_types=[
            pltpu.VMEM((2, e_pad), jnp.int32),
            pltpu.VMEM((words_per_w,), jnp.float32),
            pltpu.SemaphoreType.DMA,
        ],
    )
    def build(ei_hbm, out_hbm, ei_v, buf, sem):
        wid = lax.axis_index("s") * 2 + lax.axis_index("c")
        row_lo = wid * rows_per_w
        row_hi = row_lo + rows_per_w
        ei_cp = pltpu.async_copy(ei_hbm, ei_v, sem)

        zeros16 = jnp.zeros((_LANES,), jnp.float32)

        @plsc.parallel_loop(0, words_per_w, step=_LANES, unroll=8)
        def _zero(i):
            buf[pl.ds(i, _LANES)] = zeros16

        ei_cp.wait()

        ones16 = jnp.full((_LANES,), 1.0, jnp.float32)

        @plsc.parallel_loop(0, n_groups * _LANES, step=_LANES, unroll=4)
        def _scatter(g):
            s = ei_v[0, pl.ds(g, _LANES)]
            d = ei_v[1, pl.ds(g, _LANES)]
            mask = (d >= row_lo) & (d < row_hi)
            local = (d - row_lo) * n_nodes + s
            local = jnp.where(mask, local, 0)
            plsc.store_scatter(buf, [local], ones16, mask=mask)

        pltpu.sync_copy(buf, out_hbm.at[pl.ds(wid * words_per_w, words_per_w)])

    return build


def _build_abin(edge_index, n_nodes):
    ei = edge_index.astype(jnp.int32)
    e = ei.shape[1]
    e_pad = ((e + _LANES - 1) // _LANES) * _LANES
    if e_pad != e:
        pad = jnp.full((2, e_pad - e), n_nodes, jnp.int32)
        ei = jnp.concatenate([ei, pad], axis=1)
    flat = _make_adj_builder(n_nodes, e_pad)(ei)
    return flat.reshape(n_nodes, n_nodes)


@functools.cache
def _make_l1(bsz: int, ch: int, hw: int):
    n_nodes = bsz * hw
    dn = (((0,), (0,)), ((), ()))

    def body(x_ref, w1_ref, out_ref):
        w1 = w1_ref[...]
        out_ref[...] = jnp.concatenate(
            [lax.dot_general(x_ref[b], w1, dn,
                             preferred_element_type=jnp.float32)
             for b in range(bsz)], axis=0)

    return pl.pallas_call(
        body, out_shape=jax.ShapeDtypeStruct((n_nodes, ch), jnp.float32))


@functools.cache
def _make_rest(n_nodes: int, ch: int):

    def body(h1_ref, a_ref, b1_ref, w2_ref, b2_ref, w3_ref, b3_ref, out_ref):
        a = a_ref[...]
        deg = jnp.sum(a, axis=1, keepdims=True)
        dinv = jnp.where(deg > 0, lax.rsqrt(deg), 0.0)

        def agg(hh, b_row):
            return dinv * jnp.dot(a, hh * dinv,
                                  preferred_element_type=jnp.float32) + b_row

        h = jnp.maximum(agg(h1_ref[...], b1_ref[...]), 0.0)
        h = jnp.maximum(
            agg(jnp.dot(h, w2_ref[...], preferred_element_type=jnp.float32),
                b2_ref[...]), 0.0)
        out_ref[...] = agg(
            jnp.dot(h, w3_ref[...], preferred_element_type=jnp.float32),
            b3_ref[...])

    return pl.pallas_call(
        body, out_shape=jax.ShapeDtypeStruct((n_nodes, ch), jnp.float32))


def kernel(x, W1, b1, W2, b2, W3, b3, edge_index):
    bsz, ch, hgt, wid = x.shape
    hw = hgt * wid
    n_nodes = bsz * hw
    abin = _build_abin(edge_index, n_nodes)
    x2 = x.reshape(bsz, ch, hw)
    h1 = _make_l1(bsz, ch, hw)(x2, W1)
    h = _make_rest(n_nodes, ch)(
        h1, abin, b1.reshape(1, ch),
        W2, b2.reshape(1, ch), W3, b3.reshape(1, ch))
    return h.reshape(bsz, ch, hgt, wid)

# --- scband reference (transcript-rebuilt; emitter-appended) ---
"""Pipeline reference for scband-gcn-56057913147792 (READ-ONLY COPY).

The authoritative reference and input builder live on the scoring server;
editing this copy changes nothing except your own understanding.
"""

import jax, jax.numpy as jnp
import numpy as np

C = 512
GRID = 16
NS = GRID * GRID  # 256 nodes per graph
B = 2
N = B * NS


def _build_edge_index():
    rows, cols = [], []
    for i in range(GRID):
        for j in range(GRID):
            cur = i * GRID + j
            rows.append(cur); cols.append(cur)  # self loop
            if j < GRID - 1:
                rows.append(cur); cols.append(cur + 1)
            if i < GRID - 1:
                rows.append(cur); cols.append(cur + GRID)
    ei = np.array([rows, cols], dtype=np.int64)
    # Batch.from_data_list offsets node ids of second graph by NS
    ei2 = np.concatenate([ei, ei + NS], axis=1)
    return jnp.asarray(ei2)


def setup_inputs(seed: int = 0) -> dict:
    key = jax.random.key(seed)
    k1, k2, k3, k4 = jax.random.split(key, 4)
    x = jax.random.normal(k1, (B, C, GRID, GRID), dtype=jnp.float32)
    W1 = jax.random.normal(k2, (C, C), dtype=jnp.float32) * 0.02
    W2 = jax.random.normal(k3, (C, C), dtype=jnp.float32) * 0.02
    W3 = jax.random.normal(k4, (C, C), dtype=jnp.float32) * 0.02
    b1 = jnp.zeros((C,), dtype=jnp.float32)
    b2 = jnp.zeros((C,), dtype=jnp.float32)
    b3 = jnp.zeros((C,), dtype=jnp.float32)
    edge_index = _build_edge_index()
    return {"x": x, "W1": W1, "b1": b1, "W2": W2, "b2": b2, "W3": W3, "b3": b3, "edge_index": edge_index}


def _gcn_conv(h, Wt, bt, src, dst, n_nodes):
    # PyG GCNConv with gcn_norm (add_remaining_self_loops: grid edge_index
    # already contains every self loop, so nothing is added)
    ones = jnp.ones((src.shape[0],), dtype=h.dtype)
    deg = jnp.zeros((n_nodes,), dtype=h.dtype).at[dst].add(ones)
    dinv = jnp.where(deg > 0, 1.0 / jnp.sqrt(deg), 0.0)
    norm = dinv[src] * dinv[dst]
    hh = h @ Wt
    msg = hh[src] * norm[:, None]
    out = jnp.zeros((n_nodes, hh.shape[1]), dtype=h.dtype).at[dst].add(msg)
    return out + bt


def reference(x, W1, b1, W2, b2, W3, b3, edge_index):
    # feature2graph: [B, C, H, W] -> per-graph node features [HW, C], batched
    bsz, ch, hgt, wid = x.shape
    nodes = jnp.transpose(x.reshape(bsz, ch, hgt * wid), (0, 2, 1)).reshape(bsz * hgt * wid, ch)
    src, dst = edge_index[0], edge_index[1]
    n_nodes = nodes.shape[0]
    h = _gcn_conv(nodes, W1, b1, src, dst, n_nodes)
    h = jax.nn.relu(h)  # dropout is identity in eval
    h = _gcn_conv(h, W2, b2, src, dst, n_nodes)
    h = jax.nn.relu(h)
    h = _gcn_conv(h, W3, b3, src, dst, n_nodes)
    # faithful to torch: x.view(2, C, 16, 16) raw row-major reinterpretation
    return h.reshape(2, h.shape[1], GRID, GRID)

if __name__ == "__main__":
    import jax
    _d = setup_inputs()
    print(jax.jit(kernel)(*tuple(_d.values())))

</pallas_src>

<mosaic_0001>
#map = affine_map<(d0, d1) -> (0, 0)>
#map1 = affine_map<(d0, d1) -> (0)>
module attributes {stable_mosaic.version = 14 : i64} {
  func.func @build(%arg0: i32, %arg1: i32, %arg2: memref<2x1472xi32, #tpu.memory_space<hbm>>, %arg3: memref<262144xf32, #tpu.memory_space<hbm>>, %arg4: memref<2x1472xi32, #tpu.memory_space<vmem>>, %arg5: memref<8192xf32, #tpu.memory_space<vmem>>, %arg6: memref<!tpu.dma_semaphore, #tpu.memory_space<semaphore_mem>>) attributes {dimension_semantics = [#tpu.dimension_semantics<core_parallel>, #tpu.dimension_semantics<subcore_parallel>], iteration_bounds = array<i64: 2, 16>, scalar_prefetch = 0 : i64, scratch_operands = 3 : i64, tpu.core_type = #tpu.core_type<sc_vector_subcore>, window_params = [{transform_indices = #map}, {transform_indices = #map1}]} {
    %mul3A = arith.constant 2 : i32
    %mul3A_0 = arith.muli %arg1, %mul3A : i32
    %add3A = arith.addi %mul3A_0, %arg0 : i32
    %mul3A_1 = arith.constant 16 : i32
    %mul3A_2 = arith.muli %add3A, %mul3A_1 : i32
    %add3A_3 = arith.constant 16 : i32
    %add3A_4 = arith.addi %mul3A_2, %add3A_3 : i32
    tpu.enqueue_dma source(%arg2 : memref<2x1472xi32, #tpu.memory_space<hbm>>) target(%arg4 : memref<2x1472xi32, #tpu.memory_space<vmem>>) target_semaphore(%arg6 : memref<!tpu.dma_semaphore, #tpu.memory_space<semaphore_mem>>)
    %broadcast_in_dim3A = arith.constant 0.000000e+00 : f32
    %broadcast_in_dim3A_5 = vector.broadcast %broadcast_in_dim3A : f32 to vector<16xf32>
    %parallel_loop3A = arith.constant 0 : i32
    %parallel_loop3A_6 = arith.constant 8192 : i32
    %parallel_loop3A_7 = arith.constant 16 : i32
    scf.for %parallel_loop3A_15 = %parallel_loop3A to %parallel_loop3A_6 step %parallel_loop3A_7  : i32 {
      %parallel_loop3A_16 = arith.index_cast %parallel_loop3A_15 : i32 to index
      %parallel_loop3A_17 = tpu.vector_load %arg5[%parallel_loop3A_16] {strides = array<i32>} : memref<8192xf32, #tpu.memory_space<vmem>>, vector<16xf32>,
      tpu.vector_store %arg5[%parallel_loop3A_16], %broadcast_in_dim3A_5 {strides = array<i32>} : memref<8192xf32, #tpu.memory_space<vmem>>, vector<16xf32>,
    } {sc.loop_unroll_factor = 8 : i64, sc.parallel_access}
    tpu.wait_dma2 semaphore(%arg6 : memref<!tpu.dma_semaphore, #tpu.memory_space<semaphore_mem>>) src(%arg2 : memref<2x1472xi32, #tpu.memory_space<hbm>>) dst(%arg4 : memref<2x1472xi32, #tpu.memory_space<vmem>>)
    %broadcast_in_dim3A_8 = arith.constant 1.000000e+00 : f32
    %broadcast_in_dim3A_9 = vector.broadcast %broadcast_in_dim3A_8 : f32 to vector<16xf32>
    %parallel_loop3A_10 = arith.constant 0 : i32
    %parallel_loop3A_11 = arith.constant 1472 : i32
    %parallel_loop3A_12 = arith.constant 16 : i32
    scf.for %parallel_loop3A_15 = %parallel_loop3A_10 to %parallel_loop3A_11 step %parallel_loop3A_12  : i32 {
      %parallel_loop3A_16 = arith.constant 0 : i32
      %parallel_loop3A_17 = arith.index_cast %parallel_loop3A_16 : i32 to index
      %parallel_loop3A_18 = arith.index_cast %parallel_loop3A_15 : i32 to index
      %parallel_loop3A_19 = tpu.vector_load %arg4[%parallel_loop3A_17, %parallel_loop3A_18] {strides = array<i32>} : memref<2x1472xi32, #tpu.memory_space<vmem>>, vector<16xi32>,
      %parallel_loop3A_20 = arith.constant 1 : i32
      %parallel_loop3A_21 = arith.index_cast %parallel_loop3A_20 : i32 to index
      %parallel_loop3A_22 = arith.index_cast %parallel_loop3A_15 : i32 to index
      %parallel_loop3A_23 = tpu.vector_load %arg4[%parallel_loop3A_21, %parallel_loop3A_22] {strides = array<i32>} : memref<2x1472xi32, #tpu.memory_space<vmem>>, vector<16xi32>,
      %parallel_loop3A_24 = vector.broadcast %mul3A_2 : i32 to vector<16xi32>
      %parallel_loop3A_25 = arith.cmpi sge, %parallel_loop3A_23, %parallel_loop3A_24 : vector<16xi32>
      %parallel_loop3A_26 = vector.broadcast %add3A_4 : i32 to vector<16xi32>
      %parallel_loop3A_27 = arith.cmpi slt, %parallel_loop3A_23, %parallel_loop3A_26 : vector<16xi32>
      %parallel_loop3A_28 = arith.andi %parallel_loop3A_25, %parallel_loop3A_27 : vector<16xi1>
      %parallel_loop3A_29 = vector.broadcast %mul3A_2 : i32 to vector<16xi32>
      %parallel_loop3A_30 = arith.subi %parallel_loop3A_23, %parallel_loop3A_29 : vector<16xi32>
      %parallel_loop3A_31 = arith.constant 512 : i32
      %parallel_loop3A_32 = vector.broadcast %parallel_loop3A_31 : i32 to vector<16xi32>
      %parallel_loop3A_33 = arith.muli %parallel_loop3A_30, %parallel_loop3A_32 : vector<16xi32>
      %parallel_loop3A_34 = arith.addi %parallel_loop3A_33, %parallel_loop3A_19 : vector<16xi32>
      %parallel_loop3A_35 = arith.constant 0 : i32
      %parallel_loop3A_36 = vector.broadcast %parallel_loop3A_35 : i32 to vector<16xi32>
      %parallel_loop3A_37 = arith.select %parallel_loop3A_28, %parallel_loop3A_34, %parallel_loop3A_36 : vector<16xi1>, vector<16xi32>
      tpu.vector_store_idx %arg5[%parallel_loop3A_37], %broadcast_in_dim3A_9 masked %parallel_loop3A_28 : memref<8192xf32, #tpu.memory_space<vmem>>[vector<16xi32>], vector<16xf32>, vector<16xi1>
    } {sc.loop_unroll_factor = 4 : i64, sc.parallel_access}
    %mul3A_13 = arith.constant 8192 : i32
    %mul3A_14 = arith.muli %add3A, %mul3A_13 : i32
    "tpu.region"() ({
      %run_scoped3A = tpu.sem_alloc : memref<!tpu.dma_semaphore, #tpu.memory_space<semaphore_mem>>
      %dma_start3A = tpu.memref_slice %arg3[%mul3A_14] : memref<262144xf32, #tpu.memory_space<hbm>> -> memref<8192xf32, #tpu.memory_space<hbm>>
      %dma_start3A_15 = tpu.memref_slice %arg3[%mul3A_14] : memref<262144xf32, #tpu.memory_space<hbm>> -> memref<8192xf32, #tpu.memory_space<hbm>>
      tpu.enqueue_dma source(%arg5 : memref<8192xf32, #tpu.memory_space<vmem>>) target(%dma_start3A_15 : memref<8192xf32, #tpu.memory_space<hbm>>) target_semaphore(%run_scoped3A : memref<!tpu.dma_semaphore, #tpu.memory_space<semaphore_mem>>)
      %dma_wait3A = tpu.memref_slice %arg3[%mul3A_14] : memref<262144xf32, #tpu.memory_space<hbm>> -> memref<8192xf32, #tpu.memory_space<hbm>>
      %dma_wait3A_16 = tpu.memref_slice %arg3[%mul3A_14] : memref<262144xf32, #tpu.memory_space<hbm>> -> memref<8192xf32, #tpu.memory_space<hbm>>
      tpu.wait_dma2 semaphore(%run_scoped3A : memref<!tpu.dma_semaphore, #tpu.memory_space<semaphore_mem>>) src(%arg5 : memref<8192xf32, #tpu.memory_space<vmem>>) dst(%dma_wait3A_16 : memref<8192xf32, #tpu.memory_space<hbm>>)
      tpu.yield
    }) : () -> ()
    return
  }
}

module attributes {stable_mosaic.version = 14 : i64} {
  func.func @body(%arg0: memref<2x512x256xf32, #tpu.memory_space<vmem>>, %arg1: memref<512x512xf32, #tpu.memory_space<vmem>>, %arg2: memref<512x512xf32, #tpu.memory_space<vmem>>) attributes {dimension_semantics = [], scalar_prefetch = 0 : i64, scratch_operands = 0 : i64, tpu.core_type = #tpu.core_type<tc>} {
    %get3A = arith.constant 0 : index
    %get3A_0 = arith.constant 0 : index
    %get3A_1 = vector.load %arg1[%get3A, %get3A_0] : memref<512x512xf32, #tpu.memory_space<vmem>>, vector<512x512xf32>
    %get3A_2 = arith.constant 0 : index
    %get3A_3 = arith.constant 0 : index
    %get3A_4 = arith.constant 0 : index
    %get3A_5 = vector.load %arg0[%get3A_2, %get3A_3, %get3A_4] : memref<2x512x256xf32, #tpu.memory_space<vmem>>, vector<1x512x256xf32>
    %get3A_6 = vector.shape_cast %get3A_5 : vector<1x512x256xf32> to vector<512x256xf32>
    %dot_general3A = arith.constant dense<0.000000e+00> : vector<256x512xf32>
    %dot_general3A_7 = tpu.matmul %get3A_6, %get3A_1, %dot_general3A {dimension_numbers = #tpu.dot_dimension_numbers<[0], [0], [1], [1], [0, 1, 1, 1], [], []>, transpose_lhs_hint = false} : vector<512x256xf32>, vector<512x512xf32>, vector<256x512xf32> -> vector<256x512xf32>
    %get3A_8 = arith.constant 1 : index
    %get3A_9 = arith.constant 0 : index
    %get3A_10 = arith.constant 0 : index
    %get3A_11 = vector.load %arg0[%get3A_8, %get3A_9, %get3A_10] : memref<2x512x256xf32, #tpu.memory_space<vmem>>, vector<1x512x256xf32>
    %get3A_12 = vector.shape_cast %get3A_11 : vector<1x512x256xf32> to vector<512x256xf32>
    %dot_general3A_13 = arith.constant dense<0.000000e+00> : vector<256x512xf32>
    %dot_general3A_14 = tpu.matmul %get3A_12, %get3A_1, %dot_general3A_13 {dimension_numbers = #tpu.dot_dimension_numbers<[0], [0], [1], [1], [0, 1, 1, 1], [], []>, transpose_lhs_hint = false} : vector<512x256xf32>, vector<512x512xf32>, vector<256x512xf32> -> vector<256x512xf32>
    %concatenate3A = tpu.concatenate %dot_general3A_7, %dot_general3A_14 in 0 : vector<256x512xf32>, vector<256x512xf32> -> vector<512x512xf32>
    %swap3A = arith.constant 0 : index
    %swap3A_15 = arith.constant 0 : index
    %swap3A_16 = vector.load %arg2[%swap3A, %swap3A_15] : memref<512x512xf32, #tpu.memory_space<vmem>>, vector<512x512xf32>
    tpu.vector_store %arg2[%swap3A, %swap3A_15], %concatenate3A {strides = array<i32>} : memref<512x512xf32, #tpu.memory_space<vmem>>, vector<512x512xf32>,
    return
  }
}

module attributes {stable_mosaic.version = 14 : i64} {
  func.func @body(%arg0: memref<512x512xf32, #tpu.memory_space<vmem>>, %arg1: memref<512x512xf32, #tpu.memory_space<vmem>>, %arg2: memref<1x512xf32, #tpu.memory_space<vmem>>, %arg3: memref<512x512xf32, #tpu.memory_space<vmem>>, %arg4: memref<1x512xf32, #tpu.memory_space<vmem>>, %arg5: memref<512x512xf32, #tpu.memory_space<vmem>>, %arg6: memref<1x512xf32, #tpu.memory_space<vmem>>, %arg7: memref<512x512xf32, #tpu.memory_space<vmem>>) attributes {dimension_semantics = [], scalar_prefetch = 0 : i64, scratch_operands = 0 : i64, tpu.core_type = #tpu.core_type<tc>} {
    %get3A = arith.constant 0 : index
    %get3A_0 = arith.constant 0 : index
    %get3A_1 = vector.load %arg1[%get3A, %get3A_0] : memref<512x512xf32, #tpu.memory_space<vmem>>, vector<512x512xf32>
    %reduce_sum3A = arith.constant dense<0.000000e+00> : vector<512xf32>
    %reduce_sum3A_2 = vector.multi_reduction <add>, %get3A_1, %reduce_sum3A [1] : vector<512x512xf32> to vector<512xf32>
    %broadcast_in_dim3A = vector.shape_cast %reduce_sum3A_2 : vector<512xf32> to vector<512x1xf32>
    %gt3A = arith.constant 0.000000e+00 : f32
    %gt3A_3 = vector.broadcast %gt3A : f32 to vector<512x1xf32>
    %gt3A_4 = arith.cmpf ogt, %broadcast_in_dim3A, %gt3A_3 : vector<512x1xf32>
    %rsqrt3A = math.rsqrt %broadcast_in_dim3A : vector<512x1xf32>
    %jit3A = arith.constant 0.000000e+00 : f32
    %broadcast_in_dim3A_5 = vector.broadcast %jit3A : f32 to vector<512x1xf32>
    %select_n3A = arith.select %gt3A_4, %rsqrt3A, %broadcast_in_dim3A_5 : vector<512x1xi1>, vector<512x1xf32>
    %get3A_6 = arith.constant 0 : index
    %get3A_7 = arith.constant 0 : index
    %get3A_8 = vector.load %arg0[%get3A_6, %get3A_7] : memref<512x512xf32, #tpu.memory_space<vmem>>, vector<512x512xf32>
    %get3A_9 = arith.constant 0 : index
    %get3A_10 = arith.constant 0 : index
    %get3A_11 = vector.load %arg2[%get3A_9, %get3A_10] : memref<1x512xf32, #tpu.memory_space<vmem>>, vector<1x512xf32>
    %mul3A = vector.broadcast %select_n3A : vector<512x1xf32> to vector<512x512xf32>
    %mul3A_12 = arith.mulf %get3A_8, %mul3A : vector<512x512xf32>
    %dot_general3A = arith.constant dense<0.000000e+00> : vector<512x512xf32>
    %dot_general3A_13 = tpu.matmul %get3A_1, %mul3A_12, %dot_general3A {dimension_numbers = #tpu.dot_dimension_numbers<[1], [0], [0], [1], [0, 0, 1, 1], [], []>, transpose_lhs_hint = false} : vector<512x512xf32>, vector<512x512xf32>, vector<512x512xf32> -> vector<512x512xf32>
    %mul3A_14 = vector.broadcast %select_n3A : vector<512x1xf32> to vector<512x512xf32>
    %mul3A_15 = arith.mulf %mul3A_14, %dot_general3A_13 : vector<512x512xf32>
    %add3A = vector.broadcast %get3A_11 : vector<1x512xf32> to vector<512x512xf32>
    %add3A_16 = arith.addf %mul3A_15, %add3A : vector<512x512xf32>
    %max3A = arith.constant 0.000000e+00 : f32
    %max3A_17 = vector.broadcast %max3A : f32 to vector<512x512xf32>
    %max3A_18 = arith.maximumf %add3A_16, %max3A_17 : vector<512x512xf32>
    %get3A_19 = arith.constant 0 : index
    %get3A_20 = arith.constant 0 : index
    %get3A_21 = vector.load %arg3[%get3A_19, %get3A_20] : memref<512x512xf32, #tpu.memory_space<vmem>>, vector<512x512xf32>
    %dot_general3A_22 = arith.constant dense<0.000000e+00> : vector<512x512xf32>
    %dot_general3A_23 = tpu.matmul %max3A_18, %get3A_21, %dot_general3A_22 {dimension_numbers = #tpu.dot_dimension_numbers<[1], [0], [0], [1], [0, 0, 1, 1], [], []>, transpose_lhs_hint = false} : vector<512x512xf32>, vector<512x512xf32>, vector<512x512xf32> -> vector<512x512xf32>
    %get3A_24 = arith.constant 0 : index
    %get3A_25 = arith.constant 0 : index
    %get3A_26 = vector.load %arg4[%get3A_24, %get3A_25] : memref<1x512xf32, #tpu.memory_space<vmem>>, vector<1x512xf32>
    %mul3A_27 = vector.broadcast %select_n3A : vector<512x1xf32> to vector<512x512xf32>
    %mul3A_28 = arith.mulf %dot_general3A_23, %mul3A_27 : vector<512x512xf32>
    %dot_general3A_29 = arith.constant dense<0.000000e+00> : vector<512x512xf32>
    %dot_general3A_30 = tpu.matmul %get3A_1, %mul3A_28, %dot_general3A_29 {dimension_numbers = #tpu.dot_dimension_numbers<[1], [0], [0], [1], [0, 0, 1, 1], [], []>, transpose_lhs_hint = false} : vector<512x512xf32>, vector<512x512xf32>, vector<512x512xf32> -> vector<512x512xf32>
    %mul3A_31 = vector.broadcast %select_n3A : vector<512x1xf32> to vector<512x512xf32>
    %mul3A_32 = arith.mulf %mul3A_31, %dot_general3A_30 : vector<512x512xf32>
    %add3A_33 = vector.broadcast %get3A_26 : vector<1x512xf32> to vector<512x512xf32>
    %add3A_34 = arith.addf %mul3A_32, %add3A_33 : vector<512x512xf32>
    %max3A_35 = arith.constant 0.000000e+00 : f32
    %max3A_36 = vector.broadcast %max3A_35 : f32 to vector<512x512xf32>
    %max3A_37 = arith.maximumf %add3A_34, %max3A_36 : vector<512x512xf32>
    %get3A_38 = arith.constant 0 : index
    %get3A_39 = arith.constant 0 : index
    %get3A_40 = vector.load %arg5[%get3A_38, %get3A_39] : memref<512x512xf32, #tpu.memory_space<vmem>>, vector<512x512xf32>
    %dot_general3A_41 = arith.constant dense<0.000000e+00> : vector<512x512xf32>
    %dot_general3A_42 = tpu.matmul %max3A_37, %get3A_40, %dot_general3A_41 {dimension_numbers = #tpu.dot_dimension_numbers<[1], [0], [0], [1], [0, 0, 1, 1], [], []>, transpose_lhs_hint = false} : vector<512x512xf32>, vector<512x512xf32>, vector<512x512xf32> -> vector<512x512xf32>
    %get3A_43 = arith.constant 0 : index
    %get3A_44 = arith.constant 0 : index
    %get3A_45 = vector.load %arg6[%get3A_43, %get3A_44] : memref<1x512xf32, #tpu.memory_space<vmem>>, vector<1x512xf32>
    %mul3A_46 = vector.broadcast %select_n3A : vector<512x1xf32> to vector<512x512xf32>
    %mul3A_47 = arith.mulf %dot_general3A_42, %mul3A_46 : vector<512x512xf32>
    %dot_general3A_48 = arith.constant dense<0.000000e+00> : vector<512x512xf32>
    %dot_general3A_49 = tpu.matmul %get3A_1, %mul3A_47, %dot_general3A_48 {dimension_numbers = #tpu.dot_dimension_numbers<[1], [0], [0], [1], [0, 0, 1, 1], [], []>, transpose_lhs_hint = false} : vector<512x512xf32>, vector<512x512xf32>, vector<512x512xf32> -> vector<512x512xf32>
    %mul3A_50 = vector.broadcast %select_n3A : vector<512x1xf32> to vector<512x512xf32>
    %mul3A_51 = arith.mulf %mul3A_50, %dot_general3A_49 : vector<512x512xf32>
    %add3A_52 = vector.broadcast %get3A_45 : vector<1x512xf32> to vector<512x512xf32>
    %add3A_53 = arith.addf %mul3A_51, %add3A_52 : vector<512x512xf32>
    %swap3A = arith.constant 0 : index
    %swap3A_54 = arith.constant 0 : index
    %swap3A_55 = vector.load %arg7[%swap3A, %swap3A_54] : memref<512x512xf32, #tpu.memory_space<vmem>>, vector<512x512xf32>
    tpu.vector_store %arg7[%swap3A, %swap3A_54], %add3A_53 {strides = array<i32>} : memref<512x512xf32, #tpu.memory_space<vmem>>, vector<512x512xf32>,
    return
  }
}

</mosaic_0001>

<sc_bundles>
// kernel: kernel.5.cloned.1.call-start
scs
__scs_entry_jumppad:
0x0: {  	(pc) =	sbr.rel $0x88, $3  }
0x1: {  	(tag) =	ssettag $0x0;
	lr =	simm.s32 $0x1  }
0x2: {  	[smem:$0x3F99] =	sst lr;
	_ =	strace $0xD0000000  }
0x3: {  	_ = 	snop  }
0x4: {  	_ = 	snop  }
0x5: {  	_ = 	snop  }
0x6: {  	_ = 	snop  }
0x7: {  	_ = 	snop  }
__scs_overlays_trampoline_lowered:
0x8: {  	[smem:$0x3FA8] =	sst s0  }
0x9: {  	[smem:$0x3FA9] =	sst s1  }
0xa: {  	[smem:$0x3FAA] =	sst s2  }
0xb: {  	[smem:$0x3FAB] =	sst s3  }
0xc: {  	[smem:$0x3FAC] =	sst s4  }
0xd: {  	[smem:$0x3FAD] =	sst s5  }
0xe: {  	[smem:$0x3FAE] =	sst s6  }
0xf: {  	[smem:$0x3FAF] =	sst s7  }
0x10: {  	[smem:$0x3FB0] =	sst s8  }
0x11: {  	[smem:$0x3FB1] =	sst s9;
	s0 =	simm.s32 @!p0 $0x0  }
0x12: {  	s1 =	sld [smem:$0x3F97];
	s0 =	simm.s32 @p0 $0x1  }
0x13: {  	[smem:$0x3FB2] =	sst s0;
	s0 =	simm.s32 @!p1 $0x0  }
0x14: {  	s2 =	sld [smem:$0x3F96];
	s0 =	simm.s32 @p1 $0x1  }
0x15: {  	[smem:$0x3FB3] =	sst s0;
	s0 =	simm.s32 @!p2 $0x0  }
0x16: {  	s3 =	sld [smem:$0x3FDB];
	s0 =	simm.s32 @p2 $0x1  }
0x17: {  	s4 =	simm.s32 $0x1BF5;
	[smem:$0x3FB5] =	sst s0  }
0x18: {  	s0 =	sld [smem:$0x3F98];
	_ =	swait.ge [sflag:s4], $0x0  }
0x19: {  	s7 =	sld [smem:$0x3F99]  }
0x1a: {  	s8 =	sadd.s32 $0xFFFFE003, lr  }
0x1b: {  	s9 =	sadd.s32 $0xFFFFFEF7, lr;
	s5 =	simm.s32 $0xFFFFFFFF;
	p2 =	slt.u32 s8, $0xFFFFF086  }
0x1c: {  	p1 =	slt.u32 s9, $0xF7A;
	s5 =	simm.s32 @!p2 $0x0  }
0x1d: {  	s5 =	simm.s32 @p1 $0x1;
	p0 =	seq.s32 s7, s2  }
0x1e: {  	s7 =	smul.u32 @!p0 $0xF7A, s2;
	p2 =	seq.s32 @!p0 s5, $0x0  }
0x1f: {  	s9 =	smul.u32 $0xF7A, s1;
	s8 =	simm.s32 @!p0 $0x1BF5;
	p2 =	por !p2, p0  }
0x20: {  	[sflag:s8] =	ssyncset.s32 @!p0 $0xFFFFF086;
	s6 =	sadd.s32 @!p0 s3, s7;
	s7 =	simm.s32 @!p0 $0x108  }
0x21: {  	s3 =	sadd.s32 s3, s9;
	s6 =	sadd.s32 @!p0 $0x88, s6;
	s7 =	simm.s32 @p2 $0x1082  }
0x22: {  	[simem:s7], [sflag:s8] =	dma.local @!p0 [hbm:s6], $0xF7A  }
0x23: {  	s9 =	sor.u32 $0xD0000000, s2;
	s6 =	simm.s32 $0x108;
	_ =	swait.ge @!p0 [sflag:s8], $0x0  }
0x24: {  	s3 =	sadd.s32 $0x88, s3;
	s6 =	simm.s32 @!p1 $0x1082;
	[sflag:s4] =	ssyncset.s32 $0xFFFFF086  }
0x25: {  	[simem:s6], [sflag:s4] =	dma.local [hbm:s3], $0xF7A  }
0x26: {  	[smem:$0x3F99] =	sst s1;
	(tag) =	ssettag s2;
	_ =	strace s9  }
0x27: {  	s1 =	sld [smem:$0x3FA9]  }
0x28: {  	s2 =	sld [smem:$0x3FAA]  }
0x29: {  	s4 =	sld [smem:$0x3FAC]  }
0x2a: {  	p0 =	seq.s32 s5, $0x0;
	s5 =	sld [smem:$0x3FAD]  }
0x2b: {  	s6 =	sld [smem:$0x3FAE]  }
0x2c: {  	s7 =	sld [smem:$0x3FAF]  }
0x2d: {  	s3 =	simm.s32 $0x108;
	s8 =	sld [smem:$0x3FB0]  }
0x2e: {  	s3 =	simm.s32 @!p0 $0x1082;
	s9 =	sld [smem:$0x3FB1]  }
0x2f: {  	lr =	sadd.s32 s0, s3;
	s0 =	sld [smem:$0x3FA8]  }
0x30: {  	s3 =	sld [smem:$0x3FAB]  }
0x31: {  	[smem:$0x3FB4] =	sst s10  }
0x32: {  	s10 =	sld [smem:$0x3FB2];
	_ =	sdelay $0x3  }
0x33: {  	p0 =	seq.s32 s10, $0x1;
	s10 =	sld [smem:$0x3FB4];
	_ =	sdelay $0x3  }
0x34: {  	[smem:$0x3FB4] =	sst s10  }
0x35: {  	s10 =	sld [smem:$0x3FB3];
	_ =	sdelay $0x3  }
0x36: {  	p1 =	seq.s32 s10, $0x1;
	s10 =	sld [smem:$0x3FB4];
	_ =	sdelay $0x3  }
0x37: {  	[smem:$0x3FB4] =	sst s10  }
0x38: {  	s10 =	sld [smem:$0x3FB5]  }
0x39: {  	_ = 	snop;
	(pc) =	sbr.ind lr, $3  }
0x3a: {  	_ = 	snop  }
0x3b: {  	_ = 	snop  }
0x3c: {  	p2 =	seq.s32 s10, $0x1;
	s10 =	sld [smem:$0x3FB4]  }
0x3d: {  	_ =	shalt  }
0x3e: {  	_ =	shalt  }
0x3f: {  	_ =	shalt  }
0x40: {  	_ =	shalt  }
0x41: {  	_ =	shalt  }
0x42: {  	_ =	shalt  }
0x43: {  	_ =	shalt  }
0x44: {  	_ =	shalt  }
0x45: {  	_ =	shalt  }
0x46: {  	_ =	shalt  }
0x47: {  	_ =	shalt  }
0x48: {  	_ =	shalt  }
0x49: {  	_ =	shalt  }
0x4a: {  	_ =	shalt  }
0x4b: {  	_ =	shalt  }
0x4c: {  	_ =	shalt  }
0x4d: {  	_ =	shalt  }
0x4e: {  	_ =	shalt  }
0x4f: {  	_ =	shalt  }
0x50: {  	_ =	shalt  }
0x51: {  	_ =	shalt  }
0x52: {  	_ =	shalt  }
0x53: {  	_ =	shalt  }
0x54: {  	_ =	shalt  }
0x55: {  	_ =	shalt  }
0x56: {  	_ =	shalt  }
0x57: {  	_ =	shalt  }
0x58: {  	_ =	shalt  }
0x59: {  	_ =	shalt  }
0x5a: {  	_ =	shalt  }
0x5b: {  	_ =	shalt  }
0x5c: {  	_ =	shalt  }
0x5d: {  	_ =	shalt  }
0x5e: {  	_ =	shalt  }
0x5f: {  	_ =	shalt  }
0x60: {  	_ =	shalt  }
0x61: {  	_ =	shalt  }
0x62: {  	_ =	shalt  }
0x63: {  	_ =	shalt  }
0x64: {  	_ =	shalt  }
0x65: {  	_ =	shalt  }
0x66: {  	_ =	shalt  }
0x67: {  	_ =	shalt  }
0x68: {  	_ =	shalt  }
0x69: {  	_ =	shalt  }
0x6a: {  	_ =	shalt  }
0x6b: {  	_ =	shalt  }
0x6c: {  	_ =	shalt  }
0x6d: {  	_ =	shalt  }
0x6e: {  	_ =	shalt  }
0x6f: {  	_ =	shalt  }
0x70: {  	_ =	shalt  }
0x71: {  	_ =	shalt  }
0x72: {  	_ =	shalt  }
0x73: {  	_ =	shalt  }
0x74: {  	_ =	shalt  }
0x75: {  	_ =	shalt  }
0x76: {  	_ =	shalt  }
0x77: {  	_ =	shalt  }
0x78: {  	_ =	shalt  }
0x79: {  	_ =	shalt  }
0x7a: {  	_ =	shalt  }
0x7b: {  	_ =	shalt  }
0x7c: {  	_ =	shalt  }
0x7d: {  	_ =	shalt  }
0x7e: {  	_ =	shalt  }
0x7f: {  	_ =	shalt  }
0x80: {  	_ =	shalt  }
0x81: {  	_ =	shalt  }
0x82: {  	_ =	shalt  }
0x83: {  	_ =	shalt  }
0x84: {  	_ =	shalt  }
0x85: {  	_ =	shalt  }
0x86: {  	_ =	shalt  }
0x87: {  	_ =	shalt  }
.Lfunc_end0:
.L_simem_size_0:
called_computation_lowered:
.L_overlay_start_0:
0x88: {  	s2 =	sld [smem:$0x3FD9]  }
0x89: {  	s3 =	sld [smem:$0x3FFE];
	_ =	sdelay $0x1  }
0x8a: {  	s1 =	srdreg.scid  }
0x8b: {  	s0 =	sand.u32 $0x1, s1  }
0x8c: {  	s18 =	sshll.u32 s0, $0xA;
	s2 =	sadd.s32 s3, s2  }
0x8d: {  	s2 =	sadd.s32 s2, s18  }
0x8e: {  	[smem:$0x3FC0] =	sst s2  }
0x8f: {  	_ = 	snop  }
0x90: {  	s2 =	sld [smem:$0x3FC2]  }
0x91: {  	s19 =	sld [smem:$0x3FD0];
	(tm) =	ssettm $0x1  }
0x92: {  	s4 =	sld [smem:$0x3FFB];
	_ =	sdelay $0x3  }
0x93: {  	_ =	strace s4  }
0x94: {  	s4 =	sld [smem:$0x3FFC];
	_ =	sdelay $0x3  }
0x95: {  	_ =	strace s4  }
0x96: {  	s4 =	sld [smem:$0x3FFD];
	_ =	sdelay $0x3  }
0x97: {  	_ =	strace s4  }
0x98: {  	_ =	strace $0x8FFFFFFF  }
0x99: {  	s20 =	sld [smem:$0x3FDB];
	_ =	sdelay $0x1  }
0x9a: {  	s5 =	simm.s32 $_scs_section_size  }
0x9b: {  	s6 =	simm.s32 $_size__tile_overlayer_lowered;
	s7 =	simm.s32 $_tile_overlayer_lowered  }
0x9c: {  	s23 =	simm.s32 $0x1BFF;
	s22 =	sshll.u32 s7, $0x1;
	s4 =	sadd.s32 s5, s20  }
0x9d: {  	s8 =	simm.s32 $0x0;
	s21 =	sshll.u32 s6, $0x1;
	s6 =	sadd.s32 s22, s4  }
0x9e: {  	[timem:s8], [sflag:s23] =	dma.local [hbm:s6], s21  }
0x9f: {  	_ =	swait.ge [sflag:s23], s21  }
0xa0: {  	s5 =	ssub.s32 $0x0, s21;
	[sflag:s23] =	ssyncset.done $0x0  }
0xa1: {  	[sflag:s23] =	ssyncadd.s32 s5;
	_ =	sdelay $0x1  }
0xa2: {  	s24 =	simm.s32 $0x1B8B  }
0xa3: {  	_ =	swait.ge [sflag:s24], $0x1  }
0xa4: {  	[sflag:s24] =	ssyncset.done $0x0  }
0xa5: {  	s25 =	simm.s32 $0x1B8E;
	[sflag:s24] =	ssyncadd.s32 $0xFFFFFFFF  }
0xa6: {  	s26 =	simm.s32 $execute0_lowered;
	[smem:$0x3FD2] =	sst s25  }
0xa7: {  	s5 =	sshll.u32 s26, $0x1;
	_ =	strace $0x80000046;
	[dreg:$0x1] =	wrdreg $0xFFFFFFFF  }
0xa8: {  	s28 =	simm.s32 $_size_execute0_lowered;
	s4 =	sadd.s32 s4, s5;
	[dreg:$0x0] =	wrdreg $0x0  }
0xa9: {  	s5 =	sshll.u32 s28, $0x1;
	[dreg:$0x2] =	wrdreg s4  }
0xaa: {  	[dreg:$0x3] =	wrdreg s5  }
0xab: {  	[dreg:$0x4] =	wrdreg $0xC0  }
0xac: {  	_ =	task [dreg:s8], $0x5FFFF  }
0xad: {  	[dreg:$0x1] =	wrdreg $0xFFFFFFFF  }
0xae: {  	[dreg:$0x0] =	wrdreg $0x60  }
0xaf: {  	[dreg:$0x2] =	wrdreg s2  }
0xb0: {  	[dreg:$0x3] =	wrdreg s19  }
0xb1: {  	[dreg:$0x4] =	wrdreg $0x9  }
0xb2: {  	_ =	task.clear_ibuf [dreg:s8], $0x5FFFF;
	_ =	strace $0x90000046  }
0xb3: {  	s29 =	simm.s32 $0x9;
	_ =	strace $0x80000048  }
0xb4: {  	_ =	swait.ge [sflag:s29], $0x1  }
0xb5: {  	[sflag:s29] =	ssyncadd.s32 $0xFFFFFFFF  }
0xb6: {  	_ =	strace $0x90000048  }
0xb7: {  	_ =	sfence  }
0xb8: {  	s30 =	sld [smem:$0x0];
	_ =	sdelay $0x2  }
0xb9: {  	s31 =	sshll.u32 s1, $0xD;
	s1 =	sshrl.u32 s1, $0x2  }
0xba: {  	s3 =	sand.u32 $0x4000, s31;
	s1 =	sadd.s32 s1, s30  }
0xbb: {  	s0 =	sor.u32 s3, s0;
	s1 =	sshll.u32 s1, $0x11  }
0xbc: {  	s0 =	sor.u32 s1, s0  }
0xbd: {  	s0 =	sadd.s32 $0x8F2B, s0  }
0xbe: {  	[sflag:s0] =	ssyncadd.remote.s32 $0x1  }
0xbf: {  	_ =	sfence.sel $0xFFFF  }
0xc0: {  	[dreg:$0x0] =	wrdreg $0xFFFFFFFF;
	(pc) =	sbr.abs _section_cstart, $3  }
0xc1: {  	[dreg:$0x1] =	wrdreg $0xFFFFFFFF  }
0xc2: {  	_ =	task.clear_ibuf [dreg:s8], $0x2FFFF;
	_ =	strace $0x9FFFFFFF  }
0xc3: {  	(tm) =	ssettm $0x7FFFFFFF  }
tec
execute0_lowered:
.L_overlay_start_1:
0x0: {  	(tag) =	ssettag $0x1  }
0x1: {  	s2 =	rddreg [dreg:$0x0]  }
0x2: {  	s4 =	rddreg [dreg:$0x1]  }
0x3: {  	s0 =	rddreg [dreg:$0x2]  }
0x4: {  	s5 =	srdreg.scid;
	s1 =	stileid.u32  }
0x5: {  	s3 =	simm.s32 $0x0;
	s9 =	simm.s32 $0x0;
	s5 =	sand.u32 $0x1, s5  }
0x6: {  	s6 =	sshll.u32 s1, $0x1;
	[smem:$0x7FF] =	sst s3;
	s7 =	ssub.s32 $0x2, s5  }
0x7: {  	s5 =	sor.u32 s5, s6;
	_ =	strace $0x80000047;
	s30 =	sshrl.u32 s7, $0x1  }
0x8: {  	s8 =	sshll.u32 s5, $0x4;
	s5 =	sshll.u32 s5, $0xA;
	s6 =	ssub.s32 s7, s30  }
0x9: {  	v2 =	vimm.f32 $0.0e+00;
	s31 =	sadd.s32 $0x10, s8;
	s4 =	sadd.s32 s4, s5;
	s7 =	simm.s32 $0xC00  }
0xa: {  	v3 =	vimm.f32 $1.000000000e+00;
	v0 =	vmov s8;
	s8 =	simm.s32 $0x2;
	s5 =	smax.u32 s6, $0x1;
	s6 =	simm.s32 $0x1;
	v1 =	vmov s31  }
.LBB2_1:
0xb: {  	[tilespmem:s3], [sflag:$0x1] =	stream.linear.gather [hbm4b:s2+s3], $0xC00, $0x38;
	[tilespmem:$0x2C00] =	vst v63  }
0xc: {  	s10 =	simm.s32 $0xC40  }
0xd: {  	[tilespmem:s10+$0xFFFFFFC0] =	vst v2  }
0xe: {  	[tilespmem:s10+$0x30] =	vst v2  }
0xf: {  	[tilespmem:s10+$0x20] =	vst v2  }
0x10: {  	[tilespmem:s10+$0x10] =	vst v2  }
0x11: {  	[tilespmem:s10+$0x0] =	vst v2  }
0x12: {  	[tilespmem:s10+$0xFFFFFFF0] =	vst v2  }
0x13: {  	s11 =	simm.s32 $0x0;
	[tilespmem:s10+$0xFFFFFFE0] =	vst v2  }
.LBB2_2:
0x14: {  	s11 =	sadd.s32 $0x80, s11;
	[tilespmem:s10+$0xFFFFFFD0] =	vst v2;
	s10 =	sadd.s32 $0x80, s10  }
0x15: {  	[tilespmem:s10+$0xFFFFFFC0] =	vst v2;
	p0 =	slt.u32 s11, $0x1F80  }
0x16: {  	[tilespmem:s10+$0x30] =	vst v2  }
.Ltmp0:
0x17: {  	[tilespmem:s10+$0x20] =	vst v2;
	(pc) =	sbr.rel @p0 .LBB2_2-.Ltmp0, $4  }
0x18: {  	[tilespmem:s10+$0x10] =	vst v2  }
0x19: {  	[tilespmem:s10+$0x0] =	vst v2  }
0x1a: {  	[tilespmem:s10+$0xFFFFFFF0] =	vst v2  }
0x1b: {  	[tilespmem:s10+$0xFFFFFFE0] =	vst v2  }
0x1c: {  	[tilespmem:s10+$0xFFFFFFD0] =	vst v2;
	p0 =	por $0x0, $0x0;
	s10 =	simm.s32 $0x1  }
0x1d: {  	s11 =	simm.s32 $0x0;
	s12 =	simm.s32 $0x0;
	s10 =	simm.s32 @!p0 $0x0  }
0x1e: {  	_ =	swait.ge [sflag:s6], $0xC00;
	s12 =	sand.u32 $0x40, s12;
	s10 =	sshll.u32 s10, $0x6  }
0x1f: {  	s11 =	sand.u32 $0xF00, s11;
	[sflag:s6] =	ssyncset.done $0x0;
	s10 =	sadd.s32 $0x0, s10  }
0x20: {  	[sflag:s6] =	ssyncadd.s32 $0xFFFFF400;
	s13 =	sor.u32 $0x80, s10;
	s23 =	sadd.s32 $0x10, s10  }
0x21: {  	s12 =	sor.u32 s12, s11;
	s24 =	sadd.s32 $0x20, s10;
	v4 =	vld [tilespmem:s13+$0x0];
	s11 =	sor.u32 $0x80, s23  }
0x22: {  	s10 =	sadd.s32 $0x30, s10;
	s13 =	sor.u32 $0x80, s24;
	v6 =	vld [tilespmem:s11+$0x0]  }
0x23: {  	s10 =	sor.u32 $0x80, s10;
	v7 =	vld [tilespmem:s13+$0x0]  }
0x24: {  	v8 =	vld [tilespmem:s10+$0x0]  }
0x25: {  	p0 =	por !p0, !p0;
	v5 =	vld [tilespmem:s12+$0x0];
	s13 =	simm.s32 $0x1  }
0x26: {  	s13 =	simm.s32 @!p0 $0x0;
	vm0 =	vge.s32 v4, v0;
	vm1 =	vlt.s32 v4, v1  }
0x27: {  	v9 =	vld [tilespmem:s12+$0x10];
	s13 =	sshll.u32 s13, $0x6;
	v4 =	vsub.s32 v4, v0;
	vm2 =	vmand vm0, vm1;
	vm0 =	vlt.s32 v6, v1  }
0x28: {  	v10 =	vld [tilespmem:s12+$0x20];
	s25 =	sadd.s32 $0x80, s13;
	v11 =	vsub.s32 v6, v0;
	v4 =	vshll.u32 v4, $0x9;
	vm1 =	vge.s32 v6, v0  }
0x29: {  	v12 =	vld [tilespmem:s12+$0x30];
	s10 =	simm.s32 $0x40;
	s28 =	sor.u32 $0x80, s25;
	s29 =	sadd.s32 $0x10, s25;
	vm3 =	vge.s32 v7, v0;
	vm4 =	vlt.s32 v7, v1;
	vm5 =	vge.s32 v8, v0  }
0x2a: {  	s11 =	simm.s32 $0x80;
	s16 =	sadd.s32 $0x20, s25;
	v15 =	vld [tilespmem:s28+$0x0];
	s30 =	sor.u32 $0x80, s29;
	v6 =	vsub.s32 v8, v0;
	v4 =	vadd.s32 v5, v4;
	vm0 =	vmand vm1, vm0  }
0x2b: {  	s14 =	sand.u32 $0x40, s10;
	s15 =	sand.u32 $0xF00, s11;
	s31 =	sor.u32 $0x80, s16;
	vm1 =	vlt.s32 v8, v1;
	v5 =	vsub.s32 v7, v0;
	v7 =	vshll.u32 v11, $0x9;
	v13 =	vld [tilespmem:s30+$0x0]  }
0x2c: {  	s26 =	sor.u32 s14, s15;
	s12 =	sadd.s32 $0x30, s25;
	v8 =	vshll.u32 v6, $0x9;
	v6 =	vld [tilespmem:s31+$0x0];
	vm3 =	vmand vm3, vm4;
	v14 =	vnsel vm2, $0x0, v4  }
0x2d: {  	s12 =	sor.u32 $0x80, s12;
	v4 =	vld [tilespmem:s26+$0x0];
	vm1 =	vmand vm5, vm1;
	v5 =	vshll.u32 v5, $0x9;
	v7 =	vadd.s32 v9, v7  }
0x2e: {  	v9 =	vadd.s32 v12, v8;
	v8 =	vld [tilespmem:s12+$0x0];
	v5 =	vadd.s32 v10, v5;
	v12 =	vnsel vm0, $0x0, v7  }
0x2f: {  	v7 =	vnsel vm1, $0x0, v9;
	v9 =	vld [tilespmem:s26+$0x20];
	v11 =	vnsel vm3, $0x0, v5  }
0x30: {  	v10 =	vld [tilespmem:s26+$0x30];
	vm4 =	vge.s32 v15, v0;
	vm5 =	vlt.s32 v15, v1;
	v15 =	vsub.s32 v15, v0  }
0x31: {  	p0 =	por !p0, !p0;
	v5 =	vld [tilespmem:s26+$0x10];
	[tilespmem:v14+s7+$0x0] =	vst.idx.msk vm2, v3;
	vm2 =	vmand vm4, vm5;
	vm5 =	vlt.s32 v13, v1;
	v14 =	vsub.s32 v13, v0  }
.LBB2_4:
0x32: {  	s12 =	simm.s32 $0x1  }
0x33: {  	s10 =	sadd.s32 $0x40, s10;
	v15 =	vshll.u32 v15, $0x9;
	vm6 =	vge.s32 v13, v0;
	vm4 =	vge.s32 v6, v0;
	s11 =	sadd.s32 $0x80, s11;
	[tilespmem:v12+s7+$0x0] =	vst.idx.msk vm0, v3;
	s12 =	simm.s32 @!p0 $0x0  }
0x34: {  	s13 =	sand.u32 $0x40, s10;
	s14 =	sand.u32 $0xF00, s11;
	v4 =	vadd.s32 v4, v15;
	vm0 =	vmand vm6, vm5;
	vm5 =	vlt.s32 v8, v1;
	s12 =	sshll.u32 s12, $0x6;
	[tilespmem:v11+s7+$0x0] =	vst.idx.msk vm3, v3  }
0x35: {  	p1 =	slt.u32 s10, $0x580;
	vm6 =	vge.s32 v8, v0;
	s13 =	sor.u32 s13, s14;
	v11 =	vnsel vm2, $0x0, v4;
	vm3 =	vlt.s32 v6, v1;
	s12 =	sadd.s32 s12, s11;
	[tilespmem:v7+s7+$0x0] =	vst.idx.msk vm1, v3  }
0x36: {  	v6 =	vsub.s32 v6, v0;
	vm1 =	vmand vm6, vm5;
	v7 =	vsub.s32 v8, v0;
	v4 =	vld [tilespmem:s13+$0x0];
	s14 =	sor.u32 $0x80, s12;
	s15 =	sadd.s32 $0x10, s12;
	s16 =	sadd.s32 $0x20, s12  }
0x37: {  	v8 =	vshll.u32 v14, $0x9;
	v6 =	vshll.u32 v6, $0x9;
	s12 =	sadd.s32 $0x30, s12;
	v7 =	vshll.u32 v7, $0x9;
	v15 =	vld [tilespmem:s14+$0x0];
	s14 =	sor.u32 $0x80, s15;
	s15 =	sor.u32 $0x80, s16  }
0x38: {  	v5 =	vadd.s32 v5, v8;
	v9 =	vadd.s32 v9, v6;
	s12 =	sor.u32 $0x80, s12;
	v7 =	vadd.s32 v10, v7;
	v13 =	vld [tilespmem:s14+$0x0]  }
.Ltmp1:
0x39: {  	vm3 =	vmand vm4, vm3;
	v12 =	vnsel vm0, $0x0, v5;
	v7 =	vnsel vm1, $0x0, v7;
	v6 =	vld [tilespmem:s15+$0x0];
	(pc) =	sbr.rel @p1 .LBB2_4-.Ltmp1, $4  }
0x3a: {  	v8 =	vld [tilespmem:s12+$0x0];
	[tilespmem:v11+s7+$0x0] =	vst.idx.msk vm2, v3;
	v11 =	vnsel vm3, $0x0, v9  }
0x3b: {  	v5 =	vld [tilespmem:s13+$0x10]  }
0x3c: {  	vm2 =	vge.s32 v15, v0;
	vm4 =	vlt.s32 v15, v1;
	v15 =	vsub.s32 v15, v0;
	v9 =	vld [tilespmem:s13+$0x20]  }
0x3d: {  	p0 =	por !p0, !p0;
	vm2 =	vmand vm2, vm4;
	vm5 =	vlt.s32 v13, v1;
	v14 =	vsub.s32 v13, v0;
	v10 =	vld [tilespmem:s13+$0x30]  }
0x3e: {  	v15 =	vshll.u32 v15, $0x9;
	vm4 =	vge.s32 v13, v0;
	vm6 =	vge.s32 v6, v0  }
0x3f: {  	vm13 =	vlt.s32 v6, v1;
	v61 =	vsub.s32 v6, v0;
	v62 =	vshll.u32 v14, $0x9  }
0x40: {  	v4 =	vadd.s32 v4, v15;
	vm4 =	vmand vm4, vm5;
	vm7 =	vlt.s32 v8, v1  }
0x41: {  	vm5 =	vmand vm6, vm13;
	vm14 =	vge.s32 v8, v0;
	v63 =	vsub.s32 v8, v0  }
0x42: {  	v6 =	vshll.u32 v61, $0x9;
	v4 =	vnsel vm2, $0x0, v4;
	v5 =	vadd.s32 v5, v62  }
0x43: {  	v8 =	vshll.u32 v63, $0x9;
	v6 =	vadd.s32 v9, v6;
	v5 =	vnsel vm4, $0x0, v5  }
0x44: {  	[tilespmem:v12+s7+$0x0] =	vst.idx.msk vm0, v3;
	vm15 =	vmand vm14, vm7;
	v8 =	vadd.s32 v10, v8;
	v6 =	vnsel vm5, $0x0, v6  }
0x45: {  	[tilespmem:v11+s7+$0x0] =	vst.idx.msk vm3, v3;
	v8 =	vnsel vm15, $0x0, v8  }
0x46: {  	[tilespmem:v7+s7+$0x0] =	vst.idx.msk vm1, v3  }
0x47: {  	[tilespmem:v4+s7+$0x0] =	vst.idx.msk vm2, v3  }
0x48: {  	s9 =	sadd.s32 $0x1, s9;
	[tilespmem:v5+s7+$0x0] =	vst.idx.msk vm4, v3  }
0x49: {  	p0 =	sne.s32 s9, s5;
	[tilespmem:v6+s7+$0x0] =	vst.idx.msk vm5, v3  }
.Ltmp2:
0x4a: {  	[tilespmem:v8+s7+$0x0] =	vst.idx.msk vm15, v3;
	(pc) =	sbr.rel @p0 .LBB2_1-.Ltmp2, $4  }
0x4b: {  	[hbm4b:s4+s3] =	stream.linear.scatter [tilespmem:s7], [sflag:$0x2], $0x2000, $0x38;
	[tilespmem:$0x2C00] =	vst v63  }
0x4c: {  	_ =	swait.ge [sflag:s8], $0x2000  }
0x4d: {  	[sflag:s8] =	ssyncset.done $0x0  }
0x4e: {  	[sflag:s8] =	ssyncadd.s32 $0xFFFFE000  }
0x4f: {  	_ =	sfence.sel $0x180000  }
0x50: {  	[bflag:$0x0] =	sbarrier.arrive $0xFFFF  }
0x51: {  	p0 =	sne.s32 s1, $0x0;
	_ =	strace $0x90000047  }
0x52: {  	s0 =	sadd.s32 @!p0 $0x100000, s0;
	[bflag:$0x2] =	sbarrier.arrive $0xFFFF  }
0x53: {  	[sflag:s0] =	ssyncadd.tile.s32 @!p0 $0x1;
	_ =	shalt  }
.Lfunc_end2:
_tile_overlayer_lowered:
.L_overlay_start_2:
0x54: {  	(tag) =	ssettag $0x2  }
0x55: {  	s0 =	rddreg [dreg:$0x0];
	s2 =	stileid.u32  }
0x56: {  	s1 =	rddreg [dreg:$0x1];
	p0 =	sne.s32 s2, $0x0  }
0x57: {  	s3 =	rddreg [dreg:$0x2];
	[bflag:$0x3] =	sbarrier.arrive $0xFFFF;
	s2 =	simm.s32 @!p0 $0x1C02  }
0x58: {  	[timem:s3], [sflag:s2] =	dma.local @!p0 [hbm:s0], s1  }
0x59: {  	s0 =	simm.s32 @!p0 $0x2  }
0x5a: {  	_ =	swait.ge @!p0 [sflag:s0], s1  }
0x5b: {  	s1 =	ssub.s32 @!p0 $0x0, s1;
	[sflag:s0] =	ssyncset.done @!p0 $0x0  }
0x5c: {  	[sflag:s0] =	ssyncadd.s32 @!p0 s1  }
0x5d: {  	[bflag:$0x3] =	sbarrier.arrive $0xFFFF  }
0x5e: {  	_ =	shalt  }

</sc_bundles>
